<compile_context>
chip_gen: v7x
topology: tpu7x:2x2x1
jax: 0.10.2.dev20260603
libtpu: 0.0.44.dev20260713+nightly
codegen_flags: <defaults>
</compile_context>

<pallas_src>
import functools

import jax
import jax.numpy as jnp
from jax import lax
from jax.experimental import pallas as pl
from jax.experimental.pallas import tpu as pltpu
from jax.experimental.pallas import tpu_sc as plsc

B = 4096
S = 200
D = 64
H = 128
O = 16

L = 16
NC = 2
NS = 16
NW = NC * NS
ROWS_W = B // NW
CH = (128, 72)
CH_OFF = (0, 128)
D_CH = D // L

PB = 512
NB = 977
PACK_ROWS = NB * PB
V_LIN = 2 * PACK_ROWS


def _pack_table(table):
    a = table.T

    def body(al_ref, ar_ref, o_ref):
        o_ref[:, 0:D] = jnp.swapaxes(al_ref[...], 0, 1)
        o_ref[:, D:2 * D] = jnp.swapaxes(ar_ref[...], 0, 1)

    t2 = pl.pallas_call(
        body,
        grid=(NB,),
        in_specs=[
            pl.BlockSpec((D, PB), lambda i: (0, i)),
            pl.BlockSpec((D, PB), lambda i: (0, NB + i)),
        ],
        out_specs=pl.BlockSpec((PB, 2 * D), lambda i: (i, 0)),
        out_shape=jax.ShapeDtypeStruct((PACK_ROWS, 2 * D), jnp.float32),
    )(a, a)
    return t2.reshape(V_LIN, D)


def _sc_pool(idx, table):
    mesh = plsc.VectorSubcoreMesh(core_axis_name="c", subcore_axis_name="s")

    @functools.partial(
        pl.kernel,
        out_type=jax.ShapeDtypeStruct((B, D), jnp.float32),
        mesh=mesh,
        scratch_types=[
            pltpu.VMEM((ROWS_W, S), jnp.int32),
            pltpu.VMEM((2, S, D), jnp.float32),
            pltpu.VMEM((ROWS_W, D), jnp.float32),
            pltpu.SemaphoreType.DMA,
            pltpu.SemaphoreType.DMA,
        ],
        compiler_params=pltpu.CompilerParams(use_tc_tiling_on_sc=False),
    )
    def pool(idx_hbm, table_hbm, out_hbm, idx_v, rows_v, pooled_v, sem0, sem1):
        sems = (sem0, sem1)
        wid = lax.axis_index("s") * NC + lax.axis_index("c")
        pltpu.sync_copy(idx_hbm.at[pl.ds(wid * ROWS_W, ROWS_W)], idx_v)

        def fire(row, p):
            for j in range(2):
                pltpu.async_copy(
                    table_hbm.at[idx_v.at[row, pl.ds(CH_OFF[j], CH[j])]],
                    rows_v.at[p, pl.ds(CH_OFF[j], CH[j])],
                    sems[p])

        def drain(row, p):
            for j in range(2):
                pltpu.make_async_copy(
                    table_hbm.at[idx_v.at[row, pl.ds(CH_OFF[j], CH[j])]],
                    rows_v.at[p, pl.ds(CH_OFF[j], CH[j])],
                    sems[p]).wait()

        fire(0, 0)

        @pl.loop(0, ROWS_W, step=2)
        def _(i):
            for p in range(2):
                row = i + p

                @pl.when(row + 1 < ROWS_W)
                def _():
                    fire(row + 1, 1 - p)

                drain(row, p)

                def body(r, acc):
                    return tuple(
                        acc[c] + rows_v[p, r, pl.ds(c * L, L)]
                        for c in range(D_CH))

                acc = lax.fori_loop(
                    0, S, body,
                    tuple(jnp.zeros((L,), jnp.float32) for _ in range(D_CH)))
                for c in range(D_CH):
                    pooled_v[row, pl.ds(c * L, L)] = acc[c] * (1.0 / S)

        pltpu.sync_copy(pooled_v, out_hbm.at[pl.ds(wid * ROWS_W, ROWS_W)])

    return pool(idx, table)


BB = 512


def _mlp(x, W1, b1, W2, b2):
    def body(x_ref, w1_ref, b1_ref, w2_ref, b2_ref, o_ref):
        h = jnp.dot(x_ref[...], w1_ref[...],
                    preferred_element_type=jnp.float32) + b1_ref[...]
        z = jnp.dot(h, w2_ref[...],
                    preferred_element_type=jnp.float32) + b2_ref[...]
        z = z - jnp.max(z, axis=-1, keepdims=True)
        e = jnp.exp(z)
        o_ref[...] = e / jnp.sum(e, axis=-1, keepdims=True)

    return pl.pallas_call(
        body,
        grid=(B // BB,),
        in_specs=[
            pl.BlockSpec((BB, D), lambda i: (i, 0)),
            pl.BlockSpec((D, H), lambda i: (0, 0)),
            pl.BlockSpec((1, H), lambda i: (0, 0)),
            pl.BlockSpec((H, O), lambda i: (0, 0)),
            pl.BlockSpec((1, O), lambda i: (0, 0)),
        ],
        out_specs=pl.BlockSpec((BB, O), lambda i: (i, 0)),
        out_shape=jax.ShapeDtypeStruct((B, O), jnp.float32),
    )(x, W1, b1.reshape(1, H), W2, b2.reshape(1, O))


def kernel(inputs, table, W1, b1, W2, b2):
    idx = inputs.astype(jnp.int32)
    idx = jnp.where(idx < PACK_ROWS, 2 * idx, 2 * idx - (V_LIN - 1))
    pooled = _sc_pool(idx, _pack_table(table))
    return _mlp(pooled, W1, b1, W2, b2)

# --- scband reference (transcript-rebuilt; emitter-appended) ---
"""Pipeline reference for scband-fast-text-37185826849427 (READ-ONLY COPY).

The authoritative reference and input builder live on the scoring server;
editing this copy changes nothing except your own understanding.
"""

import jax, jax.numpy as jnp
import numpy as np

VOCAB_SIZE = 1000000
EMBEDDING_DIM = 64
HIDDEN_DIM = 128
OUTPUT_DIM = 16
BATCH = 4096
SEQ = 200


def setup_inputs(seed: int = 0) -> dict:
    key = jax.random.key(seed)
    k_idx, k_emb, k_w1, k_b1, k_w2, k_b2 = jax.random.split(key, 6)
    inputs = jax.random.randint(k_idx, (BATCH, SEQ), 0, VOCAB_SIZE, dtype=jnp.int64 if jax.config.jax_enable_x64 else jnp.int32)
    # Embedding table sized VOCAB_SIZE + 1 (mask_zero=True adds padding row at index 0)
    table = jax.random.normal(k_emb, (VOCAB_SIZE + 1, EMBEDDING_DIM), dtype=jnp.float32) * 0.05
    W1 = jax.random.normal(k_w1, (EMBEDDING_DIM, HIDDEN_DIM), dtype=jnp.float32) * 0.05
    b1 = jnp.zeros((HIDDEN_DIM,), dtype=jnp.float32)
    W2 = jax.random.normal(k_w2, (HIDDEN_DIM, OUTPUT_DIM), dtype=jnp.float32) * 0.05
    b2 = jnp.zeros((OUTPUT_DIM,), dtype=jnp.float32)
    return {"inputs": inputs, "table": table, "W1": W1, "b1": b1, "W2": W2, "b2": b2}


def reference(inputs, table, W1, b1, W2, b2):
    # embed = mean over sequence of embedding lookups
    embed = jnp.take(table, inputs, axis=0)            # [B, S, D]
    embed = jnp.mean(embed, axis=1)                    # [B, D]  (tf.reduce_mean ignores keras mask)
    h = embed @ W1 + b1                                # dense1 (linear activation, keras default)
    z = h @ W2 + b2                                    # dense2
    return jax.nn.softmax(z, axis=-1)

if __name__ == "__main__":
    import jax
    _d = setup_inputs()
    print(jax.jit(kernel)(*tuple(_d.values())))

</pallas_src>

<mosaic_0001>
#map = affine_map<(d0, d1) -> (0, 0)>
module attributes {stable_mosaic.version = 14 : i64} {
  func.func @pool(%arg0: i32, %arg1: i32, %arg2: memref<4096x200xi32, #tpu.memory_space<hbm>>, %arg3: memref<1000448x64xf32, #tpu.memory_space<hbm>>, %arg4: memref<4096x64xf32, #tpu.memory_space<hbm>>, %arg5: memref<128x200xi32, #tpu.memory_space<vmem>>, %arg6: memref<2x200x64xf32, #tpu.memory_space<vmem>>, %arg7: memref<128x64xf32, #tpu.memory_space<vmem>>, %arg8: memref<!tpu.dma_semaphore, #tpu.memory_space<semaphore_mem>>, %arg9: memref<!tpu.dma_semaphore, #tpu.memory_space<semaphore_mem>>) attributes {dimension_semantics = [#tpu.dimension_semantics<core_parallel>, #tpu.dimension_semantics<subcore_parallel>], iteration_bounds = array<i64: 2, 16>, scalar_prefetch = 0 : i64, scratch_operands = 5 : i64, tpu.core_type = #tpu.core_type<sc_vector_subcore>, window_params = [{transform_indices = #map}, {transform_indices = #map}, {transform_indices = #map}]} {
    %mul3A = arith.constant 2 : i32
    %mul3A_0 = arith.muli %arg1, %mul3A : i32
    %add3A = arith.addi %mul3A_0, %arg0 : i32
    %mul3A_1 = arith.constant 128 : i32
    %mul3A_2 = arith.muli %add3A, %mul3A_1 : i32
    "tpu.region"() ({
      %run_scoped3A = tpu.sem_alloc : memref<!tpu.dma_semaphore, #tpu.memory_space<semaphore_mem>>
      %dma_start3A_32 = arith.constant 0 : i32
      %dma_start3A_33 = tpu.memref_slice %arg2[%mul3A_2, %dma_start3A_32] : memref<4096x200xi32, #tpu.memory_space<hbm>> -> memref<128x200xi32, #tpu.memory_space<hbm>>
      %dma_start3A_34 = arith.constant 0 : i32
      %dma_start3A_35 = tpu.memref_slice %arg2[%mul3A_2, %dma_start3A_34] : memref<4096x200xi32, #tpu.memory_space<hbm>> -> memref<128x200xi32, #tpu.memory_space<hbm>>
      tpu.enqueue_dma source(%dma_start3A_35 : memref<128x200xi32, #tpu.memory_space<hbm>>) target(%arg5 : memref<128x200xi32, #tpu.memory_space<vmem>>) target_semaphore(%run_scoped3A : memref<!tpu.dma_semaphore, #tpu.memory_space<semaphore_mem>>)
      %dma_wait3A = arith.constant 0 : i32
      %dma_wait3A_36 = tpu.memref_slice %arg2[%mul3A_2, %dma_wait3A] : memref<4096x200xi32, #tpu.memory_space<hbm>> -> memref<128x200xi32, #tpu.memory_space<hbm>>
      %dma_wait3A_37 = arith.constant 0 : i32
      %dma_wait3A_38 = tpu.memref_slice %arg2[%mul3A_2, %dma_wait3A_37] : memref<4096x200xi32, #tpu.memory_space<hbm>> -> memref<128x200xi32, #tpu.memory_space<hbm>>
      tpu.wait_dma2 semaphore(%run_scoped3A : memref<!tpu.dma_semaphore, #tpu.memory_space<semaphore_mem>>) src(%dma_wait3A_38 : memref<128x200xi32, #tpu.memory_space<hbm>>) dst(%arg5 : memref<128x200xi32, #tpu.memory_space<vmem>>)
      tpu.yield
    }) : () -> ()
    %dma_start3A = arith.constant 0 : i32
    %dma_start3A_3 = arith.constant 0 : i32
    %dma_start3A_4 = arith.constant 0 : i32
    %dma_start3A_5 = arith.constant 0 : i32
    %dma_start3A_6 = tpu.memref_slice %arg6[%dma_start3A_3, %dma_start3A_4, %dma_start3A_5] : memref<2x200x64xf32, #tpu.memory_space<vmem>> -> memref<1x128x64xf32, #tpu.memory_space<vmem>>
    %dma_start3A_7 = tpu.memref_squeeze %dma_start3A_6 : memref<1x128x64xf32, #tpu.memory_space<vmem>> -> memref<128x64xf32, #tpu.memory_space<vmem>>
    %dma_start3A_8 = arith.constant 0 : i32
    %dma_start3A_9 = tpu.memref_slice %arg5[%dma_start3A, %dma_start3A_8] : memref<128x200xi32, #tpu.memory_space<vmem>> -> memref<1x128xi32, #tpu.memory_space<vmem>>
    %dma_start3A_10 = tpu.memref_squeeze %dma_start3A_9 : memref<1x128xi32, #tpu.memory_space<vmem>> -> memref<128xi32, #tpu.memory_space<vmem>>
    %dma_start3A_11 = arith.constant 0 : i32
    %dma_start3A_12 = arith.constant 0 : i32
    %dma_start3A_13 = tpu.memref_slice %arg3[%dma_start3A_11, %dma_start3A_12] : memref<1000448x64xf32, #tpu.memory_space<hbm>> -> memref<1000448x64xf32, #tpu.memory_space<hbm>>
    tpu.enqueue_indirect_dma source(%dma_start3A_13 : memref<1000448x64xf32, #tpu.memory_space<hbm>>) target(%dma_start3A_7 : memref<128x64xf32, #tpu.memory_space<vmem>>) offsets(%dma_start3A_10 : memref<128xi32, #tpu.memory_space<vmem>>) semaphore(%arg8 : memref<!tpu.dma_semaphore, #tpu.memory_space<semaphore_mem>>)
    %dma_start3A_14 = arith.constant 0 : i32
    %dma_start3A_15 = arith.constant 0 : i32
    %dma_start3A_16 = arith.constant 128 : i32
    %dma_start3A_17 = arith.constant 0 : i32
    %dma_start3A_18 = tpu.memref_slice %arg6[%dma_start3A_15, %dma_start3A_16, %dma_start3A_17] : memref<2x200x64xf32, #tpu.memory_space<vmem>> -> memref<1x72x64xf32, #tpu.memory_space<vmem>>
    %dma_start3A_19 = tpu.memref_squeeze %dma_start3A_18 : memref<1x72x64xf32, #tpu.memory_space<vmem>> -> memref<72x64xf32, #tpu.memory_space<vmem>>
    %dma_start3A_20 = arith.constant 128 : i32
    %dma_start3A_21 = tpu.memref_slice %arg5[%dma_start3A_14, %dma_start3A_20] : memref<128x200xi32, #tpu.memory_space<vmem>> -> memref<1x72xi32, #tpu.memory_space<vmem>>
    %dma_start3A_22 = tpu.memref_squeeze %dma_start3A_21 : memref<1x72xi32, #tpu.memory_space<vmem>> -> memref<72xi32, #tpu.memory_space<vmem>>
    %dma_start3A_23 = arith.constant 0 : i32
    %dma_start3A_24 = arith.constant 0 : i32
    %dma_start3A_25 = tpu.memref_slice %arg3[%dma_start3A_23, %dma_start3A_24] : memref<1000448x64xf32, #tpu.memory_space<hbm>> -> memref<1000448x64xf32, #tpu.memory_space<hbm>>
    tpu.enqueue_indirect_dma source(%dma_start3A_25 : memref<1000448x64xf32, #tpu.memory_space<hbm>>) target(%dma_start3A_19 : memref<72x64xf32, #tpu.memory_space<vmem>>) offsets(%dma_start3A_22 : memref<72xi32, #tpu.memory_space<vmem>>) semaphore(%arg8 : memref<!tpu.dma_semaphore, #tpu.memory_space<semaphore_mem>>)
    %scan3A = arith.constant 0 : i32
    %scan3A_26 = arith.constant 64 : i32
    %scan3A_27 = arith.addi %scan3A, %scan3A_26 : i32
    %scan3A_28 = arith.constant 1 : i32
    scf.for %scan3A_32 = %scan3A to %scan3A_27 step %scan3A_28  : i32 {
      %mul3A_33 = arith.constant 2 : i32
      %mul3A_34 = arith.muli %scan3A_32, %mul3A_33 : i32
      %add3A_35 = arith.constant 0 : i32
      %add3A_36 = arith.addi %add3A_35, %mul3A_34 : i32
      %add3A_37 = arith.constant 0 : i32
      %add3A_38 = arith.addi %add3A_36, %add3A_37 : i32
      %add3A_39 = arith.constant 1 : i32
      %add3A_40 = arith.addi %add3A_38, %add3A_39 : i32
      %lt3A = arith.constant 128 : i32
      %lt3A_41 = arith.cmpi slt, %add3A_40, %lt3A : i32
      %convert_element_type3A = arith.extui %lt3A_41 : i1 to i32
      %cond3A = arith.constant 0 : i32
      %cond3A_42 = arith.cmpi ne, %convert_element_type3A, %cond3A : i32
      scf.if %cond3A_42 {
        %add3A_185 = arith.constant 1 : i32
        %add3A_186 = arith.addi %add3A_38, %add3A_185 : i32
        %dma_start3A_187 = arith.constant 1 : i32
        %dma_start3A_188 = arith.constant 0 : i32
        %dma_start3A_189 = arith.constant 0 : i32
        %dma_start3A_190 = tpu.memref_slice %arg6[%dma_start3A_187, %dma_start3A_188, %dma_start3A_189] : memref<2x200x64xf32, #tpu.memory_space<vmem>> -> memref<1x128x64xf32, #tpu.memory_space<vmem>>
        %dma_start3A_191 = tpu.memref_squeeze %dma_start3A_190 : memref<1x128x64xf32, #tpu.memory_space<vmem>> -> memref<128x64xf32, #tpu.memory_space<vmem>>
        %dma_start3A_192 = arith.constant 0 : i32
        %dma_start3A_193 = tpu.memref_slice %arg5[%add3A_186, %dma_start3A_192] : memref<128x200xi32, #tpu.memory_space<vmem>> -> memref<1x128xi32, #tpu.memory_space<vmem>>
        %dma_start3A_194 = tpu.memref_squeeze %dma_start3A_193 : memref<1x128xi32, #tpu.memory_space<vmem>> -> memref<128xi32, #tpu.memory_space<vmem>>
        %dma_start3A_195 = arith.constant 0 : i32
        %dma_start3A_196 = arith.constant 0 : i32
        %dma_start3A_197 = tpu.memref_slice %arg3[%dma_start3A_195, %dma_start3A_196] : memref<1000448x64xf32, #tpu.memory_space<hbm>> -> memref<1000448x64xf32, #tpu.memory_space<hbm>>
        tpu.enqueue_indirect_dma source(%dma_start3A_197 : memref<1000448x64xf32, #tpu.memory_space<hbm>>) target(%dma_start3A_191 : memref<128x64xf32, #tpu.memory_space<vmem>>) offsets(%dma_start3A_194 : memref<128xi32, #tpu.memory_space<vmem>>) semaphore(%arg9 : memref<!tpu.dma_semaphore, #tpu.memory_space<semaphore_mem>>)
        %dma_start3A_198 = arith.constant 1 : i32
        %dma_start3A_199 = arith.constant 128 : i32
        %dma_start3A_200 = arith.constant 0 : i32
        %dma_start3A_201 = tpu.memref_slice %arg6[%dma_start3A_198, %dma_start3A_199, %dma_start3A_200] : memref<2x200x64xf32, #tpu.memory_space<vmem>> -> memref<1x72x64xf32, #tpu.memory_space<vmem>>
        %dma_start3A_202 = tpu.memref_squeeze %dma_start3A_201 : memref<1x72x64xf32, #tpu.memory_space<vmem>> -> memref<72x64xf32, #tpu.memory_space<vmem>>
        %dma_start3A_203 = arith.constant 128 : i32
        %dma_start3A_204 = tpu.memref_slice %arg5[%add3A_186, %dma_start3A_203] : memref<128x200xi32, #tpu.memory_space<vmem>> -> memref<1x72xi32, #tpu.memory_space<vmem>>
        %dma_start3A_205 = tpu.memref_squeeze %dma_start3A_204 : memref<1x72xi32, #tpu.memory_space<vmem>> -> memref<72xi32, #tpu.memory_space<vmem>>
        %dma_start3A_206 = arith.constant 0 : i32
        %dma_start3A_207 = arith.constant 0 : i32
        %dma_start3A_208 = tpu.memref_slice %arg3[%dma_start3A_206, %dma_start3A_207] : memref<1000448x64xf32, #tpu.memory_space<hbm>> -> memref<1000448x64xf32, #tpu.memory_space<hbm>>
        tpu.enqueue_indirect_dma source(%dma_start3A_208 : memref<1000448x64xf32, #tpu.memory_space<hbm>>) target(%dma_start3A_202 : memref<72x64xf32, #tpu.memory_space<vmem>>) offsets(%dma_start3A_205 : memref<72xi32, #tpu.memory_space<vmem>>) semaphore(%arg9 : memref<!tpu.dma_semaphore, #tpu.memory_space<semaphore_mem>>)
      } else {
      }
      %dma_wait3A = arith.constant 0 : i32
      %dma_wait3A_43 = arith.constant 0 : i32
      %dma_wait3A_44 = arith.constant 0 : i32
      %dma_wait3A_45 = tpu.memref_slice %arg6[%dma_wait3A, %dma_wait3A_43, %dma_wait3A_44] : memref<2x200x64xf32, #tpu.memory_space<vmem>> -> memref<1x128x64xf32, #tpu.memory_space<vmem>>
      %dma_wait3A_46 = tpu.memref_squeeze %dma_wait3A_45 : memref<1x128x64xf32, #tpu.memory_space<vmem>> -> memref<128x64xf32, #tpu.memory_space<vmem>>
      %dma_wait3A_47 = arith.constant 0 : i32
      %dma_wait3A_48 = tpu.memref_slice %arg5[%add3A_38, %dma_wait3A_47] : memref<128x200xi32, #tpu.memory_space<vmem>> -> memref<1x128xi32, #tpu.memory_space<vmem>>
      %dma_wait3A_49 = tpu.memref_squeeze %dma_wait3A_48 : memref<1x128xi32, #tpu.memory_space<vmem>> -> memref<128xi32, #tpu.memory_space<vmem>>
      %dma_wait3A_50 = arith.constant 0 : i32
      %dma_wait3A_51 = arith.constant 0 : i32
      %dma_wait3A_52 = tpu.memref_slice %arg3[%dma_wait3A_50, %dma_wait3A_51] : memref<1000448x64xf32, #tpu.memory_space<hbm>> -> memref<1000448x64xf32, #tpu.memory_space<hbm>>
      tpu.wait_indirect_dma semaphore(%arg8 : memref<!tpu.dma_semaphore, #tpu.memory_space<semaphore_mem>>) src(%dma_wait3A_52 : memref<1000448x64xf32, #tpu.memory_space<hbm>>) dst(%dma_wait3A_46 : memref<128x64xf32, #tpu.memory_space<vmem>>)
      %dma_wait3A_53 = arith.constant 0 : i32
      %dma_wait3A_54 = arith.constant 128 : i32
      %dma_wait3A_55 = arith.constant 0 : i32
      %dma_wait3A_56 = tpu.memref_slice %arg6[%dma_wait3A_53, %dma_wait3A_54, %dma_wait3A_55] : memref<2x200x64xf32, #tpu.memory_space<vmem>> -> memref<1x72x64xf32, #tpu.memory_space<vmem>>
      %dma_wait3A_57 = tpu.memref_squeeze %dma_wait3A_56 : memref<1x72x64xf32, #tpu.memory_space<vmem>> -> memref<72x64xf32, #tpu.memory_space<vmem>>
      %dma_wait3A_58 = arith.constant 128 : i32
      %dma_wait3A_59 = tpu.memref_slice %arg5[%add3A_38, %dma_wait3A_58] : memref<128x200xi32, #tpu.memory_space<vmem>> -> memref<1x72xi32, #tpu.memory_space<vmem>>
      %dma_wait3A_60 = tpu.memref_squeeze %dma_wait3A_59 : memref<1x72xi32, #tpu.memory_space<vmem>> -> memref<72xi32, #tpu.memory_space<vmem>>
      %dma_wait3A_61 = arith.constant 0 : i32
      %dma_wait3A_62 = arith.constant 0 : i32
      %dma_wait3A_63 = tpu.memref_slice %arg3[%dma_wait3A_61, %dma_wait3A_62] : memref<1000448x64xf32, #tpu.memory_space<hbm>> -> memref<1000448x64xf32, #tpu.memory_space<hbm>>
      tpu.wait_indirect_dma semaphore(%arg8 : memref<!tpu.dma_semaphore, #tpu.memory_space<semaphore_mem>>) src(%dma_wait3A_63 : memref<1000448x64xf32, #tpu.memory_space<hbm>>) dst(%dma_wait3A_57 : memref<72x64xf32, #tpu.memory_space<vmem>>)
      %broadcast_in_dim3A = arith.constant 0.000000e+00 : f32
      %broadcast_in_dim3A_64 = vector.broadcast %broadcast_in_dim3A : f32 to vector<16xf32>
      %broadcast_in_dim3A_65 = arith.constant 0.000000e+00 : f32
      %broadcast_in_dim3A_66 = vector.broadcast %broadcast_in_dim3A_65 : f32 to vector<16xf32>
      %broadcast_in_dim3A_67 = arith.constant 0.000000e+00 : f32
      %broadcast_in_dim3A_68 = vector.broadcast %broadcast_in_dim3A_67 : f32 to vector<16xf32>
      %broadcast_in_dim3A_69 = arith.constant 0.000000e+00 : f32
      %broadcast_in_dim3A_70 = vector.broadcast %broadcast_in_dim3A_69 : f32 to vector<16xf32>
      %scan3A_71 = arith.constant 0 : i32
      %scan3A_72 = arith.constant 200 : i32
      %scan3A_73 = arith.addi %scan3A_71, %scan3A_72 : i32
      %scan3A_74 = arith.constant 1 : i32
      %scan3A_75:4 = scf.for %scan3A_185 = %scan3A_71 to %scan3A_73 step %scan3A_74 iter_args(%scan3A_186 = %broadcast_in_dim3A_64, %scan3A_187 = %broadcast_in_dim3A_66, %scan3A_188 = %broadcast_in_dim3A_68, %scan3A_189 = %broadcast_in_dim3A_70) -> (vector<16xf32>, vector<16xf32>, vector<16xf32>, vector<16xf32>)  : i32 {
        %get3A = arith.constant 0 : i32
        %get3A_190 = arith.index_cast %get3A : i32 to index
        %get3A_191 = arith.index_cast %scan3A_185 : i32 to index
        %get3A_192 = arith.constant 0 : index
        %get3A_193 = tpu.vector_load %arg6[%get3A_190, %get3A_191, %get3A_192] {strides = array<i32>} : memref<2x200x64xf32, #tpu.memory_space<vmem>>, vector<1x1x16xf32>,
        %get3A_194 = vector.shape_cast %get3A_193 : vector<1x1x16xf32> to vector<16xf32>
        %add3A_195 = arith.addf %scan3A_186, %get3A_194 : vector<16xf32>
        %get3A_196 = arith.constant 0 : i32
        %get3A_197 = arith.index_cast %get3A_196 : i32 to index
        %get3A_198 = arith.index_cast %scan3A_185 : i32 to index
        %get3A_199 = arith.constant 16 : index
        %get3A_200 = tpu.vector_load %arg6[%get3A_197, %get3A_198, %get3A_199] {strides = array<i32>} : memref<2x200x64xf32, #tpu.memory_space<vmem>>, vector<1x1x16xf32>,
        %get3A_201 = vector.shape_cast %get3A_200 : vector<1x1x16xf32> to vector<16xf32>
        %add3A_202 = arith.addf %scan3A_187, %get3A_201 : vector<16xf32>
        %get3A_203 = arith.constant 0 : i32
        %get3A_204 = arith.index_cast %get3A_203 : i32 to index
        %get3A_205 = arith.index_cast %scan3A_185 : i32 to index
        %get3A_206 = arith.constant 32 : index
        %get3A_207 = tpu.vector_load %arg6[%get3A_204, %get3A_205, %get3A_206] {strides = array<i32>} : memref<2x200x64xf32, #tpu.memory_space<vmem>>, vector<1x1x16xf32>,
        %get3A_208 = vector.shape_cast %get3A_207 : vector<1x1x16xf32> to vector<16xf32>
        %add3A_209 = arith.addf %scan3A_188, %get3A_208 : vector<16xf32>
        %get3A_210 = arith.constant 0 : i32
        %get3A_211 = arith.index_cast %get3A_210 : i32 to index
        %get3A_212 = arith.index_cast %scan3A_185 : i32 to index
        %get3A_213 = arith.constant 48 : index
        %get3A_214 = tpu.vector_load %arg6[%get3A_211, %get3A_212, %get3A_213] {strides = array<i32>} : memref<2x200x64xf32, #tpu.memory_space<vmem>>, vector<1x1x16xf32>,
        %get3A_215 = vector.shape_cast %get3A_214 : vector<1x1x16xf32> to vector<16xf32>
        %add3A_216 = arith.addf %scan3A_189, %get3A_215 : vector<16xf32>
        scf.yield %add3A_195, %add3A_202, %add3A_209, %add3A_216 : vector<16xf32>, vector<16xf32>, vector<16xf32>, vector<16xf32>
      }
      %scan3A_76 = arith.constant 200 : i32
      %mul3A_77 = arith.constant 5.000000e-03 : f32
      %mul3A_78 = vector.broadcast %mul3A_77 : f32 to vector<16xf32>
      %mul3A_79 = arith.mulf %scan3A_75#0, %mul3A_78 : vector<16xf32>
      %swap3A = arith.index_cast %add3A_38 : i32 to index
      %swap3A_80 = arith.constant 0 : index
      %swap3A_81 = tpu.vector_load %arg7[%swap3A, %swap3A_80] {strides = array<i32>} : memref<128x64xf32, #tpu.memory_space<vmem>>, vector<1x16xf32>,
      %swap3A_82 = vector.shape_cast %swap3A_81 : vector<1x16xf32> to vector<16xf32>
      %swap3A_83 = vector.shape_cast %mul3A_79 : vector<16xf32> to vector<1x16xf32>
      tpu.vector_store %arg7[%swap3A, %swap3A_80], %swap3A_83 {strides = array<i32>} : memref<128x64xf32, #tpu.memory_space<vmem>>, vector<1x16xf32>,
      %mul3A_84 = arith.constant 5.000000e-03 : f32
      %mul3A_85 = vector.broadcast %mul3A_84 : f32 to vector<16xf32>
      %mul3A_86 = arith.mulf %scan3A_75#1, %mul3A_85 : vector<16xf32>
      %swap3A_87 = arith.index_cast %add3A_38 : i32 to index
      %swap3A_88 = arith.constant 16 : index
      %swap3A_89 = tpu.vector_load %arg7[%swap3A_87, %swap3A_88] {strides = array<i32>} : memref<128x64xf32, #tpu.memory_space<vmem>>, vector<1x16xf32>,
      %swap3A_90 = vector.shape_cast %swap3A_89 : vector<1x16xf32> to vector<16xf32>
      %swap3A_91 = vector.shape_cast %mul3A_86 : vector<16xf32> to vector<1x16xf32>
      tpu.vector_store %arg7[%swap3A_87, %swap3A_88], %swap3A_91 {strides = array<i32>} : memref<128x64xf32, #tpu.memory_space<vmem>>, vector<1x16xf32>,
      %mul3A_92 = arith.constant 5.000000e-03 : f32
      %mul3A_93 = vector.broadcast %mul3A_92 : f32 to vector<16xf32>
      %mul3A_94 = arith.mulf %scan3A_75#2, %mul3A_93 : vector<16xf32>
      %swap3A_95 = arith.index_cast %add3A_38 : i32 to index
      %swap3A_96 = arith.constant 32 : index
      %swap3A_97 = tpu.vector_load %arg7[%swap3A_95, %swap3A_96] {strides = array<i32>} : memref<128x64xf32, #tpu.memory_space<vmem>>, vector<1x16xf32>,
      %swap3A_98 = vector.shape_cast %swap3A_97 : vector<1x16xf32> to vector<16xf32>
      %swap3A_99 = vector.shape_cast %mul3A_94 : vector<16xf32> to vector<1x16xf32>
      tpu.vector_store %arg7[%swap3A_95, %swap3A_96], %swap3A_99 {strides = array<i32>} : memref<128x64xf32, #tpu.memory_space<vmem>>, vector<1x16xf32>,
      %mul3A_100 = arith.constant 5.000000e-03 : f32
      %mul3A_101 = vector.broadcast %mul3A_100 : f32 to vector<16xf32>
      %mul3A_102 = arith.mulf %scan3A_75#3, %mul3A_101 : vector<16xf32>
      %swap3A_103 = arith.index_cast %add3A_38 : i32 to index
      %swap3A_104 = arith.constant 48 : index
      %swap3A_105 = tpu.vector_load %arg7[%swap3A_103, %swap3A_104] {strides = array<i32>} : memref<128x64xf32, #tpu.memory_space<vmem>>, vector<1x16xf32>,
      %swap3A_106 = vector.shape_cast %swap3A_105 : vector<1x16xf32> to vector<16xf32>
      %swap3A_107 = vector.shape_cast %mul3A_102 : vector<16xf32> to vector<1x16xf32>
      tpu.vector_store %arg7[%swap3A_103, %swap3A_104], %swap3A_107 {strides = array<i32>} : memref<128x64xf32, #tpu.memory_space<vmem>>, vector<1x16xf32>,
      %add3A_108 = arith.constant 1 : i32
      %add3A_109 = arith.addi %add3A_36, %add3A_108 : i32
      %add3A_110 = arith.constant 1 : i32
      %add3A_111 = arith.addi %add3A_109, %add3A_110 : i32
      %lt3A_112 = arith.constant 128 : i32
      %lt3A_113 = arith.cmpi slt, %add3A_111, %lt3A_112 : i32
      %convert_element_type3A_114 = arith.extui %lt3A_113 : i1 to i32
      %cond3A_115 = arith.constant 0 : i32
      %cond3A_116 = arith.cmpi ne, %convert_element_type3A_114, %cond3A_115 : i32
      scf.if %cond3A_116 {
        %add3A_185 = arith.constant 1 : i32
        %add3A_186 = arith.addi %add3A_109, %add3A_185 : i32
        %dma_start3A_187 = arith.constant 0 : i32
        %dma_start3A_188 = arith.constant 0 : i32
        %dma_start3A_189 = arith.constant 0 : i32
        %dma_start3A_190 = tpu.memref_slice %arg6[%dma_start3A_187, %dma_start3A_188, %dma_start3A_189] : memref<2x200x64xf32, #tpu.memory_space<vmem>> -> memref<1x128x64xf32, #tpu.memory_space<vmem>>
        %dma_start3A_191 = tpu.memref_squeeze %dma_start3A_190 : memref<1x128x64xf32, #tpu.memory_space<vmem>> -> memref<128x64xf32, #tpu.memory_space<vmem>>
        %dma_start3A_192 = arith.constant 0 : i32
        %dma_start3A_193 = tpu.memref_slice %arg5[%add3A_186, %dma_start3A_192] : memref<128x200xi32, #tpu.memory_space<vmem>> -> memref<1x128xi32, #tpu.memory_space<vmem>>
        %dma_start3A_194 = tpu.memref_squeeze %dma_start3A_193 : memref<1x128xi32, #tpu.memory_space<vmem>> -> memref<128xi32, #tpu.memory_space<vmem>>
        %dma_start3A_195 = arith.constant 0 : i32
        %dma_start3A_196 = arith.constant 0 : i32
        %dma_start3A_197 = tpu.memref_slice %arg3[%dma_start3A_195, %dma_start3A_196] : memref<1000448x64xf32, #tpu.memory_space<hbm>> -> memref<1000448x64xf32, #tpu.memory_space<hbm>>
        tpu.enqueue_indirect_dma source(%dma_start3A_197 : memref<1000448x64xf32, #tpu.memory_space<hbm>>) target(%dma_start3A_191 : memref<128x64xf32, #tpu.memory_space<vmem>>) offsets(%dma_start3A_194 : memref<128xi32, #tpu.memory_space<vmem>>) semaphore(%arg8 : memref<!tpu.dma_semaphore, #tpu.memory_space<semaphore_mem>>)
        %dma_start3A_198 = arith.constant 0 : i32
        %dma_start3A_199 = arith.constant 128 : i32
        %dma_start3A_200 = arith.constant 0 : i32
        %dma_start3A_201 = tpu.memref_slice %arg6[%dma_start3A_198, %dma_start3A_199, %dma_start3A_200] : memref<2x200x64xf32, #tpu.memory_space<vmem>> -> memref<1x72x64xf32, #tpu.memory_space<vmem>>
        %dma_start3A_202 = tpu.memref_squeeze %dma_start3A_201 : memref<1x72x64xf32, #tpu.memory_space<vmem>> -> memref<72x64xf32, #tpu.memory_space<vmem>>
        %dma_start3A_203 = arith.constant 128 : i32
        %dma_start3A_204 = tpu.memref_slice %arg5[%add3A_186, %dma_start3A_203] : memref<128x200xi32, #tpu.memory_space<vmem>> -> memref<1x72xi32, #tpu.memory_space<vmem>>
        %dma_start3A_205 = tpu.memref_squeeze %dma_start3A_204 : memref<1x72xi32, #tpu.memory_space<vmem>> -> memref<72xi32, #tpu.memory_space<vmem>>
        %dma_start3A_206 = arith.constant 0 : i32
        %dma_start3A_207 = arith.constant 0 : i32
        %dma_start3A_208 = tpu.memref_slice %arg3[%dma_start3A_206, %dma_start3A_207] : memref<1000448x64xf32, #tpu.memory_space<hbm>> -> memref<1000448x64xf32, #tpu.memory_space<hbm>>
        tpu.enqueue_indirect_dma source(%dma_start3A_208 : memref<1000448x64xf32, #tpu.memory_space<hbm>>) target(%dma_start3A_202 : memref<72x64xf32, #tpu.memory_space<vmem>>) offsets(%dma_start3A_205 : memref<72xi32, #tpu.memory_space<vmem>>) semaphore(%arg8 : memref<!tpu.dma_semaphore, #tpu.memory_space<semaphore_mem>>)
      } else {
      }
      %dma_wait3A_117 = arith.constant 1 : i32
      %dma_wait3A_118 = arith.constant 0 : i32
      %dma_wait3A_119 = arith.constant 0 : i32
      %dma_wait3A_120 = tpu.memref_slice %arg6[%dma_wait3A_117, %dma_wait3A_118, %dma_wait3A_119] : memref<2x200x64xf32, #tpu.memory_space<vmem>> -> memref<1x128x64xf32, #tpu.memory_space<vmem>>
      %dma_wait3A_121 = tpu.memref_squeeze %dma_wait3A_120 : memref<1x128x64xf32, #tpu.memory_space<vmem>> -> memref<128x64xf32, #tpu.memory_space<vmem>>
      %dma_wait3A_122 = arith.constant 0 : i32
      %dma_wait3A_123 = tpu.memref_slice %arg5[%add3A_109, %dma_wait3A_122] : memref<128x200xi32, #tpu.memory_space<vmem>> -> memref<1x128xi32, #tpu.memory_space<vmem>>
      %dma_wait3A_124 = tpu.memref_squeeze %dma_wait3A_123 : memref<1x128xi32, #tpu.memory_space<vmem>> -> memref<128xi32, #tpu.memory_space<vmem>>
      %dma_wait3A_125 = arith.constant 0 : i32
      %dma_wait3A_126 = arith.constant 0 : i32
      %dma_wait3A_127 = tpu.memref_slice %arg3[%dma_wait3A_125, %dma_wait3A_126] : memref<1000448x64xf32, #tpu.memory_space<hbm>> -> memref<1000448x64xf32, #tpu.memory_space<hbm>>
      tpu.wait_indirect_dma semaphore(%arg9 : memref<!tpu.dma_semaphore, #tpu.memory_space<semaphore_mem>>) src(%dma_wait3A_127 : memref<1000448x64xf32, #tpu.memory_space<hbm>>) dst(%dma_wait3A_121 : memref<128x64xf32, #tpu.memory_space<vmem>>)
      %dma_wait3A_128 = arith.constant 1 : i32
      %dma_wait3A_129 = arith.constant 128 : i32
      %dma_wait3A_130 = arith.constant 0 : i32
      %dma_wait3A_131 = tpu.memref_slice %arg6[%dma_wait3A_128, %dma_wait3A_129, %dma_wait3A_130] : memref<2x200x64xf32, #tpu.memory_space<vmem>> -> memref<1x72x64xf32, #tpu.memory_space<vmem>>
      %dma_wait3A_132 = tpu.memref_squeeze %dma_wait3A_131 : memref<1x72x64xf32, #tpu.memory_space<vmem>> -> memref<72x64xf32, #tpu.memory_space<vmem>>
      %dma_wait3A_133 = arith.constant 128 : i32
      %dma_wait3A_134 = tpu.memref_slice %arg5[%add3A_109, %dma_wait3A_133] : memref<128x200xi32, #tpu.memory_space<vmem>> -> memref<1x72xi32, #tpu.memory_space<vmem>>
      %dma_wait3A_135 = tpu.memref_squeeze %dma_wait3A_134 : memref<1x72xi32, #tpu.memory_space<vmem>> -> memref<72xi32, #tpu.memory_space<vmem>>
      %dma_wait3A_136 = arith.constant 0 : i32
      %dma_wait3A_137 = arith.constant 0 : i32
      %dma_wait3A_138 = tpu.memref_slice %arg3[%dma_wait3A_136, %dma_wait3A_137] : memref<1000448x64xf32, #tpu.memory_space<hbm>> -> memref<1000448x64xf32, #tpu.memory_space<hbm>>
      tpu.wait_indirect_dma semaphore(%arg9 : memref<!tpu.dma_semaphore, #tpu.memory_space<semaphore_mem>>) src(%dma_wait3A_138 : memref<1000448x64xf32, #tpu.memory_space<hbm>>) dst(%dma_wait3A_132 : memref<72x64xf32, #tpu.memory_space<vmem>>)
      %broadcast_in_dim3A_139 = arith.constant 0.000000e+00 : f32
      %broadcast_in_dim3A_140 = vector.broadcast %broadcast_in_dim3A_139 : f32 to vector<16xf32>
      %broadcast_in_dim3A_141 = arith.constant 0.000000e+00 : f32
      %broadcast_in_dim3A_142 = vector.broadcast %broadcast_in_dim3A_141 : f32 to vector<16xf32>
      %broadcast_in_dim3A_143 = arith.constant 0.000000e+00 : f32
      %broadcast_in_dim3A_144 = vector.broadcast %broadcast_in_dim3A_143 : f32 to vector<16xf32>
      %broadcast_in_dim3A_145 = arith.constant 0.000000e+00 : f32
      %broadcast_in_dim3A_146 = vector.broadcast %broadcast_in_dim3A_145 : f32 to vector<16xf32>
      %scan3A_147 = arith.constant 0 : i32
      %scan3A_148 = arith.constant 200 : i32
      %scan3A_149 = arith.addi %scan3A_147, %scan3A_148 : i32
      %scan3A_150 = arith.constant 1 : i32
      %scan3A_151:4 = scf.for %scan3A_185 = %scan3A_147 to %scan3A_149 step %scan3A_150 iter_args(%scan3A_186 = %broadcast_in_dim3A_140, %scan3A_187 = %broadcast_in_dim3A_142, %scan3A_188 = %broadcast_in_dim3A_144, %scan3A_189 = %broadcast_in_dim3A_146) -> (vector<16xf32>, vector<16xf32>, vector<16xf32>, vector<16xf32>)  : i32 {
        %get3A = arith.constant 1 : i32
        %get3A_190 = arith.index_cast %get3A : i32 to index
        %get3A_191 = arith.index_cast %scan3A_185 : i32 to index
        %get3A_192 = arith.constant 0 : index
        %get3A_193 = tpu.vector_load %arg6[%get3A_190, %get3A_191, %get3A_192] {strides = array<i32>} : memref<2x200x64xf32, #tpu.memory_space<vmem>>, vector<1x1x16xf32>,
        %get3A_194 = vector.shape_cast %get3A_193 : vector<1x1x16xf32> to vector<16xf32>
        %add3A_195 = arith.addf %scan3A_186, %get3A_194 : vector<16xf32>
        %get3A_196 = arith.constant 1 : i32
        %get3A_197 = arith.index_cast %get3A_196 : i32 to index
        %get3A_198 = arith.index_cast %scan3A_185 : i32 to index
        %get3A_199 = arith.constant 16 : index
        %get3A_200 = tpu.vector_load %arg6[%get3A_197, %get3A_198, %get3A_199] {strides = array<i32>} : memref<2x200x64xf32, #tpu.memory_space<vmem>>, vector<1x1x16xf32>,
        %get3A_201 = vector.shape_cast %get3A_200 : vector<1x1x16xf32> to vector<16xf32>
        %add3A_202 = arith.addf %scan3A_187, %get3A_201 : vector<16xf32>
        %get3A_203 = arith.constant 1 : i32
        %get3A_204 = arith.index_cast %get3A_203 : i32 to index
        %get3A_205 = arith.index_cast %scan3A_185 : i32 to index
        %get3A_206 = arith.constant 32 : index
        %get3A_207 = tpu.vector_load %arg6[%get3A_204, %get3A_205, %get3A_206] {strides = array<i32>} : memref<2x200x64xf32, #tpu.memory_space<vmem>>, vector<1x1x16xf32>,
        %get3A_208 = vector.shape_cast %get3A_207 : vector<1x1x16xf32> to vector<16xf32>
        %add3A_209 = arith.addf %scan3A_188, %get3A_208 : vector<16xf32>
        %get3A_210 = arith.constant 1 : i32
        %get3A_211 = arith.index_cast %get3A_210 : i32 to index
        %get3A_212 = arith.index_cast %scan3A_185 : i32 to index
        %get3A_213 = arith.constant 48 : index
        %get3A_214 = tpu.vector_load %arg6[%get3A_211, %get3A_212, %get3A_213] {strides = array<i32>} : memref<2x200x64xf32, #tpu.memory_space<vmem>>, vector<1x1x16xf32>,
        %get3A_215 = vector.shape_cast %get3A_214 : vector<1x1x16xf32> to vector<16xf32>
        %add3A_216 = arith.addf %scan3A_189, %get3A_215 : vector<16xf32>
        scf.yield %add3A_195, %add3A_202, %add3A_209, %add3A_216 : vector<16xf32>, vector<16xf32>, vector<16xf32>, vector<16xf32>
      }
      %scan3A_152 = arith.constant 200 : i32
      %mul3A_153 = arith.constant 5.000000e-03 : f32
      %mul3A_154 = vector.broadcast %mul3A_153 : f32 to vector<16xf32>
      %mul3A_155 = arith.mulf %scan3A_151#0, %mul3A_154 : vector<16xf32>
      %swap3A_156 = arith.index_cast %add3A_109 : i32 to index
      %swap3A_157 = arith.constant 0 : index
      %swap3A_158 = tpu.vector_load %arg7[%swap3A_156, %swap3A_157] {strides = array<i32>} : memref<128x64xf32, #tpu.memory_space<vmem>>, vector<1x16xf32>,
      %swap3A_159 = vector.shape_cast %swap3A_158 : vector<1x16xf32> to vector<16xf32>
      %swap3A_160 = vector.shape_cast %mul3A_155 : vector<16xf32> to vector<1x16xf32>
      tpu.vector_store %arg7[%swap3A_156, %swap3A_157], %swap3A_160 {strides = array<i32>} : memref<128x64xf32, #tpu.memory_space<vmem>>, vector<1x16xf32>,
      %mul3A_161 = arith.constant 5.000000e-03 : f32
      %mul3A_162 = vector.broadcast %mul3A_161 : f32 to vector<16xf32>
      %mul3A_163 = arith.mulf %scan3A_151#1, %mul3A_162 : vector<16xf32>
      %swap3A_164 = arith.index_cast %add3A_109 : i32 to index
      %swap3A_165 = arith.constant 16 : index
      %swap3A_166 = tpu.vector_load %arg7[%swap3A_164, %swap3A_165] {strides = array<i32>} : memref<128x64xf32, #tpu.memory_space<vmem>>, vector<1x16xf32>,
      %swap3A_167 = vector.shape_cast %swap3A_166 : vector<1x16xf32> to vector<16xf32>
      %swap3A_168 = vector.shape_cast %mul3A_163 : vector<16xf32> to vector<1x16xf32>
      tpu.vector_store %arg7[%swap3A_164, %swap3A_165], %swap3A_168 {strides = array<i32>} : memref<128x64xf32, #tpu.memory_space<vmem>>, vector<1x16xf32>,
      %mul3A_169 = arith.constant 5.000000e-03 : f32
      %mul3A_170 = vector.broadcast %mul3A_169 : f32 to vector<16xf32>
      %mul3A_171 = arith.mulf %scan3A_151#2, %mul3A_170 : vector<16xf32>
      %swap3A_172 = arith.index_cast %add3A_109 : i32 to index
      %swap3A_173 = arith.constant 32 : index
      %swap3A_174 = tpu.vector_load %arg7[%swap3A_172, %swap3A_173] {strides = array<i32>} : memref<128x64xf32, #tpu.memory_space<vmem>>, vector<1x16xf32>,
      %swap3A_175 = vector.shape_cast %swap3A_174 : vector<1x16xf32> to vector<16xf32>
      %swap3A_176 = vector.shape_cast %mul3A_171 : vector<16xf32> to vector<1x16xf32>
      tpu.vector_store %arg7[%swap3A_172, %swap3A_173], %swap3A_176 {strides = array<i32>} : memref<128x64xf32, #tpu.memory_space<vmem>>, vector<1x16xf32>,
      %mul3A_177 = arith.constant 5.000000e-03 : f32
      %mul3A_178 = vector.broadcast %mul3A_177 : f32 to vector<16xf32>
      %mul3A_179 = arith.mulf %scan3A_151#3, %mul3A_178 : vector<16xf32>
      %swap3A_180 = arith.index_cast %add3A_109 : i32 to index
      %swap3A_181 = arith.constant 48 : index
      %swap3A_182 = tpu.vector_load %arg7[%swap3A_180, %swap3A_181] {strides = array<i32>} : memref<128x64xf32, #tpu.memory_space<vmem>>, vector<1x16xf32>,
      %swap3A_183 = vector.shape_cast %swap3A_182 : vector<1x16xf32> to vector<16xf32>
      %swap3A_184 = vector.shape_cast %mul3A_179 : vector<16xf32> to vector<1x16xf32>
      tpu.vector_store %arg7[%swap3A_180, %swap3A_181], %swap3A_184 {strides = array<i32>} : memref<128x64xf32, #tpu.memory_space<vmem>>, vector<1x16xf32>,
    }
    %scan3A_29 = arith.constant 64 : i32
    %mul3A_30 = arith.constant 128 : i32
    %mul3A_31 = arith.muli %add3A, %mul3A_30 : i32
    "tpu.region"() ({
      %run_scoped3A = tpu.sem_alloc : memref<!tpu.dma_semaphore, #tpu.memory_space<semaphore_mem>>
      %dma_start3A_32 = arith.constant 0 : i32
      %dma_start3A_33 = tpu.memref_slice %arg4[%mul3A_31, %dma_start3A_32] : memref<4096x64xf32, #tpu.memory_space<hbm>> -> memref<128x64xf32, #tpu.memory_space<hbm>>
      %dma_start3A_34 = arith.constant 0 : i32
      %dma_start3A_35 = tpu.memref_slice %arg4[%mul3A_31, %dma_start3A_34] : memref<4096x64xf32, #tpu.memory_space<hbm>> -> memref<128x64xf32, #tpu.memory_space<hbm>>
      tpu.enqueue_dma source(%arg7 : memref<128x64xf32, #tpu.memory_space<vmem>>) target(%dma_start3A_35 : memref<128x64xf32, #tpu.memory_space<hbm>>) target_semaphore(%run_scoped3A : memref<!tpu.dma_semaphore, #tpu.memory_space<semaphore_mem>>)
      %dma_wait3A = arith.constant 0 : i32
      %dma_wait3A_36 = tpu.memref_slice %arg4[%mul3A_31, %dma_wait3A] : memref<4096x64xf32, #tpu.memory_space<hbm>> -> memref<128x64xf32, #tpu.memory_space<hbm>>
      %dma_wait3A_37 = arith.constant 0 : i32
      %dma_wait3A_38 = tpu.memref_slice %arg4[%mul3A_31, %dma_wait3A_37] : memref<4096x64xf32, #tpu.memory_space<hbm>> -> memref<128x64xf32, #tpu.memory_space<hbm>>
      tpu.wait_dma2 semaphore(%run_scoped3A : memref<!tpu.dma_semaphore, #tpu.memory_space<semaphore_mem>>) src(%arg7 : memref<128x64xf32, #tpu.memory_space<vmem>>) dst(%dma_wait3A_38 : memref<128x64xf32, #tpu.memory_space<hbm>>)
      tpu.yield
    }) : () -> ()
    return
  }
}

module attributes {stable_mosaic.version = 14 : i64} {
  func.func @body(%arg0: i32, %arg1: memref<64x512xf32, #tpu.memory_space<vmem>>, %arg2: memref<64x512xf32, #tpu.memory_space<vmem>>, %arg3: memref<512x128xf32, #tpu.memory_space<vmem>>) attributes {dimension_semantics = [#tpu.dimension_semantics<arbitrary>], iteration_bounds = array<i64: 977>, scalar_prefetch = 0 : i64, scratch_operands = 0 : i64, tpu.core_type = #tpu.core_type<tc>, window_params = [{transform_indices = @transform_0, window_bounds = array<i64: 64, 512>}, {transform_indices = @transform_1, window_bounds = array<i64: 64, 512>}, {transform_indices = @transform_2, window_bounds = array<i64: 512, 128>}]} {
    %get3A = arith.constant 0 : index
    %get3A_0 = arith.constant 0 : index
    %get3A_1 = vector.load %arg1[%get3A, %get3A_0] : memref<64x512xf32, #tpu.memory_space<vmem>>, vector<64x512xf32>
    %transpose3A = tpu.transpose %get3A_1, [1, 0] : vector<64x512xf32> -> vector<512x64xf32>
    %swap3A = arith.constant 0 : index
    %swap3A_2 = arith.constant 0 : index
    %swap3A_3 = vector.load %arg3[%swap3A, %swap3A_2] : memref<512x128xf32, #tpu.memory_space<vmem>>, vector<512x64xf32>
    tpu.vector_store %arg3[%swap3A, %swap3A_2], %transpose3A {strides = array<i32>} : memref<512x128xf32, #tpu.memory_space<vmem>>, vector<512x64xf32>,
    %get3A_4 = arith.constant 0 : index
    %get3A_5 = arith.constant 0 : index
    %get3A_6 = vector.load %arg2[%get3A_4, %get3A_5] : memref<64x512xf32, #tpu.memory_space<vmem>>, vector<64x512xf32>
    %transpose3A_7 = tpu.transpose %get3A_6, [1, 0] : vector<64x512xf32> -> vector<512x64xf32>
    %swap3A_8 = arith.constant 0 : index
    %swap3A_9 = arith.constant 64 : index
    %swap3A_10 = vector.load %arg3[%swap3A_8, %swap3A_9] : memref<512x128xf32, #tpu.memory_space<vmem>>, vector<512x64xf32>
    tpu.vector_store %arg3[%swap3A_8, %swap3A_9], %transpose3A_7 {strides = array<i32>} : memref<512x128xf32, #tpu.memory_space<vmem>>, vector<512x64xf32>,
    return
  }
  func.func @transform_0(%arg0: i32) -> (i32, i32) {
    %c0_i32 = arith.constant 0 : i32
    %c0_i32_0 = arith.constant 0 : i32
    return %c0_i32, %arg0 : i32, i32
  }
  func.func @transform_1(%arg0: i32) -> (i32, i32) {
    %add3A = arith.constant 977 : i32
    %add3A_0 = arith.addi %add3A, %arg0 : i32
    %c0_i32 = arith.constant 0 : i32
    %c0_i32_1 = arith.constant 0 : i32
    return %c0_i32, %add3A_0 : i32, i32
  }
  func.func @transform_2(%arg0: i32) -> (i32, i32) {
    %c0_i32 = arith.constant 0 : i32
    %c0_i32_0 = arith.constant 0 : i32
    return %arg0, %c0_i32 : i32, i32
  }
}

module attributes {stable_mosaic.version = 14 : i64} {
  func.func @body(%arg0: i32, %arg1: memref<512x64xf32, #tpu.memory_space<vmem>>, %arg2: memref<64x128xf32, #tpu.memory_space<vmem>>, %arg3: memref<1x128xf32, #tpu.memory_space<vmem>>, %arg4: memref<128x16xf32, #tpu.memory_space<vmem>>, %arg5: memref<1x16xf32, #tpu.memory_space<vmem>>, %arg6: memref<512x16xf32, #tpu.memory_space<vmem>>) attributes {dimension_semantics = [#tpu.dimension_semantics<arbitrary>], iteration_bounds = array<i64: 8>, scalar_prefetch = 0 : i64, scratch_operands = 0 : i64, tpu.core_type = #tpu.core_type<tc>, window_params = [{transform_indices = @transform_0, window_bounds = array<i64: 512, 64>}, {pipeline_mode = #tpu.pipeline_mode<synchronous>, transform_indices = @transform_1, window_bounds = array<i64: 64, 128>}, {pipeline_mode = #tpu.pipeline_mode<synchronous>, transform_indices = @transform_2, window_bounds = array<i64: 1, 128>}, {pipeline_mode = #tpu.pipeline_mode<synchronous>, transform_indices = @transform_3, window_bounds = array<i64: 128, 16>}, {pipeline_mode = #tpu.pipeline_mode<synchronous>, transform_indices = @transform_4, window_bounds = array<i64: 1, 16>}, {transform_indices = @transform_5, window_bounds = array<i64: 512, 16>}]} {
    %get3A = arith.constant 0 : index
    %get3A_0 = arith.constant 0 : index
    %get3A_1 = vector.load %arg1[%get3A, %get3A_0] : memref<512x64xf32, #tpu.memory_space<vmem>>, vector<512x64xf32>
    %get3A_2 = arith.constant 0 : index
    %get3A_3 = arith.constant 0 : index
    %get3A_4 = vector.load %arg2[%get3A_2, %get3A_3] : memref<64x128xf32, #tpu.memory_space<vmem>>, vector<64x128xf32>
    %dot_general3A = arith.constant dense<0.000000e+00> : vector<512x128xf32>
    %dot_general3A_5 = tpu.matmul %get3A_1, %get3A_4, %dot_general3A {dimension_numbers = #tpu.dot_dimension_numbers<[1], [0], [0], [1], [0, 0, 1, 1], [], []>, transpose_lhs_hint = false} : vector<512x64xf32>, vector<64x128xf32>, vector<512x128xf32> -> vector<512x128xf32>
    %get3A_6 = arith.constant 0 : index
    %get3A_7 = arith.constant 0 : index
    %get3A_8 = vector.load %arg3[%get3A_6, %get3A_7] : memref<1x128xf32, #tpu.memory_space<vmem>>, vector<1x128xf32>
    %add3A = vector.broadcast %get3A_8 : vector<1x128xf32> to vector<512x128xf32>
    %add3A_9 = arith.addf %dot_general3A_5, %add3A : vector<512x128xf32>
    %get3A_10 = arith.constant 0 : index
    %get3A_11 = arith.constant 0 : index
    %get3A_12 = vector.load %arg4[%get3A_10, %get3A_11] : memref<128x16xf32, #tpu.memory_space<vmem>>, vector<128x16xf32>
    %dot_general3A_13 = arith.constant dense<0.000000e+00> : vector<512x16xf32>
    %dot_general3A_14 = tpu.matmul %add3A_9, %get3A_12, %dot_general3A_13 {dimension_numbers = #tpu.dot_dimension_numbers<[1], [0], [0], [1], [0, 0, 1, 1], [], []>, transpose_lhs_hint = false} : vector<512x128xf32>, vector<128x16xf32>, vector<512x16xf32> -> vector<512x16xf32>
    %get3A_15 = arith.constant 0 : index
    %get3A_16 = arith.constant 0 : index
    %get3A_17 = vector.load %arg5[%get3A_15, %get3A_16] : memref<1x16xf32, #tpu.memory_space<vmem>>, vector<1x16xf32>
    %add3A_18 = vector.broadcast %get3A_17 : vector<1x16xf32> to vector<512x16xf32>
    %add3A_19 = arith.addf %dot_general3A_14, %add3A_18 : vector<512x16xf32>
    %reduce_max3A = arith.constant dense<0xFF800000> : vector<512xf32>
    %reduce_max3A_20 = vector.multi_reduction <maximumf>, %add3A_19, %reduce_max3A [1] : vector<512x16xf32> to vector<512xf32>
    %broadcast_in_dim3A = vector.shape_cast %reduce_max3A_20 : vector<512xf32> to vector<512x1xf32>
    %sub3A = vector.broadcast %broadcast_in_dim3A : vector<512x1xf32> to vector<512x16xf32>
    %sub3A_21 = arith.subf %add3A_19, %sub3A : vector<512x16xf32>
    %exp3A = math.exp %sub3A_21 : vector<512x16xf32>
    %reduce_sum3A = arith.constant dense<0.000000e+00> : vector<512xf32>
    %reduce_sum3A_22 = vector.multi_reduction <add>, %exp3A, %reduce_sum3A [1] : vector<512x16xf32> to vector<512xf32>
    %broadcast_in_dim3A_23 = vector.shape_cast %reduce_sum3A_22 : vector<512xf32> to vector<512x1xf32>
    %div3A = vector.broadcast %broadcast_in_dim3A_23 : vector<512x1xf32> to vector<512x16xf32>
    %div3A_24 = arith.divf %exp3A, %div3A : vector<512x16xf32>
    %swap3A = arith.constant 0 : index
    %swap3A_25 = arith.constant 0 : index
    %swap3A_26 = vector.load %arg6[%swap3A, %swap3A_25] : memref<512x16xf32, #tpu.memory_space<vmem>>, vector<512x16xf32>
    tpu.vector_store %arg6[%swap3A, %swap3A_25], %div3A_24 {strides = array<i32>} : memref<512x16xf32, #tpu.memory_space<vmem>>, vector<512x16xf32>,
    return
  }
  func.func @transform_0(%arg0: i32) -> (i32, i32) {
    %c0_i32 = arith.constant 0 : i32
    %c0_i32_0 = arith.constant 0 : i32
    return %arg0, %c0_i32 : i32, i32
  }
  func.func @transform_1(%arg0: i32) -> (i32, i32) {
    %c0_i32 = arith.constant 0 : i32
    %c0_i32_0 = arith.constant 0 : i32
    %c0_i32_1 = arith.constant 0 : i32
    return %c0_i32, %c0_i32_0 : i32, i32
  }
  func.func @transform_2(%arg0: i32) -> (i32, i32) {
    %c0_i32 = arith.constant 0 : i32
    %c0_i32_0 = arith.constant 0 : i32
    %c0_i32_1 = arith.constant 0 : i32
    return %c0_i32, %c0_i32_0 : i32, i32
  }
  func.func @transform_3(%arg0: i32) -> (i32, i32) {
    %c0_i32 = arith.constant 0 : i32
    %c0_i32_0 = arith.constant 0 : i32
    %c0_i32_1 = arith.constant 0 : i32
    return %c0_i32, %c0_i32_0 : i32, i32
  }
  func.func @transform_4(%arg0: i32) -> (i32, i32) {
    %c0_i32 = arith.constant 0 : i32
    %c0_i32_0 = arith.constant 0 : i32
    %c0_i32_1 = arith.constant 0 : i32
    return %c0_i32, %c0_i32_0 : i32, i32
  }
  func.func @transform_5(%arg0: i32) -> (i32, i32) {
    %c0_i32 = arith.constant 0 : i32
    %c0_i32_0 = arith.constant 0 : i32
    return %arg0, %c0_i32 : i32, i32
  }
}

</mosaic_0001>

<sc_bundles>
// kernel: kernel.5.cloned.1.call-start
scs
__scs_entry_jumppad:
0x0: {  	(pc) =	sbr.rel $0x88, $3  }
0x1: {  	(tag) =	ssettag $0x0;
	lr =	simm.s32 $0x1  }
0x2: {  	[smem:$0x3F9B] =	sst lr;
	_ =	strace $0xD0000000  }
0x3: {  	_ = 	snop  }
0x4: {  	_ = 	snop  }
0x5: {  	_ = 	snop  }
0x6: {  	_ = 	snop  }
0x7: {  	_ = 	snop  }
__scs_overlays_trampoline_lowered:
0x8: {  	[smem:$0x3FAA] =	sst s0  }
0x9: {  	[smem:$0x3FAB] =	sst s1  }
0xa: {  	[smem:$0x3FAC] =	sst s2  }
0xb: {  	[smem:$0x3FAD] =	sst s3  }
0xc: {  	[smem:$0x3FAE] =	sst s4  }
0xd: {  	[smem:$0x3FAF] =	sst s5  }
0xe: {  	[smem:$0x3FB0] =	sst s6  }
0xf: {  	[smem:$0x3FB1] =	sst s7  }
0x10: {  	[smem:$0x3FB2] =	sst s8  }
0x11: {  	[smem:$0x3FB3] =	sst s9;
	s0 =	simm.s32 @!p0 $0x0  }
0x12: {  	s1 =	sld [smem:$0x3F99];
	s0 =	simm.s32 @p0 $0x1  }
0x13: {  	[smem:$0x3FB4] =	sst s0;
	s0 =	simm.s32 @!p1 $0x0  }
0x14: {  	s2 =	sld [smem:$0x3F98];
	s0 =	simm.s32 @p1 $0x1  }
0x15: {  	[smem:$0x3FB5] =	sst s0;
	s0 =	simm.s32 @!p2 $0x0  }
0x16: {  	s3 =	sld [smem:$0x3FDB];
	s0 =	simm.s32 @p2 $0x1  }
0x17: {  	s4 =	simm.s32 $0x1BF5;
	[smem:$0x3FB7] =	sst s0  }
0x18: {  	s0 =	sld [smem:$0x3F9A];
	_ =	swait.ge [sflag:s4], $0x0  }
0x19: {  	s7 =	sld [smem:$0x3F9B]  }
0x1a: {  	s8 =	sadd.s32 $0xFFFFE003, lr  }
0x1b: {  	s9 =	sadd.s32 $0xFFFFFEF7, lr;
	s5 =	simm.s32 $0xFFFFFFFF;
	p2 =	slt.u32 s8, $0xFFFFF086  }
0x1c: {  	p1 =	slt.u32 s9, $0xF7A;
	s5 =	simm.s32 @!p2 $0x0  }
0x1d: {  	s5 =	simm.s32 @p1 $0x1;
	p0 =	seq.s32 s7, s2  }
0x1e: {  	s7 =	smul.u32 @!p0 $0xF7A, s2;
	p2 =	seq.s32 @!p0 s5, $0x0  }
0x1f: {  	s9 =	smul.u32 $0xF7A, s1;
	s8 =	simm.s32 @!p0 $0x1BF5;
	p2 =	por !p2, p0  }
0x20: {  	[sflag:s8] =	ssyncset.s32 @!p0 $0xFFFFF086;
	s6 =	sadd.s32 @!p0 s3, s7;
	s7 =	simm.s32 @!p0 $0x108  }
0x21: {  	s3 =	sadd.s32 s3, s9;
	s6 =	sadd.s32 @!p0 $0x88, s6;
	s7 =	simm.s32 @p2 $0x1082  }
0x22: {  	[simem:s7], [sflag:s8] =	dma.local @!p0 [hbm:s6], $0xF7A  }
0x23: {  	s9 =	sor.u32 $0xD0000000, s2;
	s6 =	simm.s32 $0x108;
	_ =	swait.ge @!p0 [sflag:s8], $0x0  }
0x24: {  	s3 =	sadd.s32 $0x88, s3;
	s6 =	simm.s32 @!p1 $0x1082;
	[sflag:s4] =	ssyncset.s32 $0xFFFFF086  }
0x25: {  	[simem:s6], [sflag:s4] =	dma.local [hbm:s3], $0xF7A  }
0x26: {  	[smem:$0x3F9B] =	sst s1;
	(tag) =	ssettag s2;
	_ =	strace s9  }
0x27: {  	s1 =	sld [smem:$0x3FAB]  }
0x28: {  	s2 =	sld [smem:$0x3FAC]  }
0x29: {  	s4 =	sld [smem:$0x3FAE]  }
0x2a: {  	p0 =	seq.s32 s5, $0x0;
	s5 =	sld [smem:$0x3FAF]  }
0x2b: {  	s6 =	sld [smem:$0x3FB0]  }
0x2c: {  	s7 =	sld [smem:$0x3FB1]  }
0x2d: {  	s3 =	simm.s32 $0x108;
	s8 =	sld [smem:$0x3FB2]  }
0x2e: {  	s3 =	simm.s32 @!p0 $0x1082;
	s9 =	sld [smem:$0x3FB3]  }
0x2f: {  	lr =	sadd.s32 s0, s3;
	s0 =	sld [smem:$0x3FAA]  }
0x30: {  	s3 =	sld [smem:$0x3FAD]  }
0x31: {  	[smem:$0x3FB6] =	sst s10  }
0x32: {  	s10 =	sld [smem:$0x3FB4];
	_ =	sdelay $0x3  }
0x33: {  	p0 =	seq.s32 s10, $0x1;
	s10 =	sld [smem:$0x3FB6];
	_ =	sdelay $0x3  }
0x34: {  	[smem:$0x3FB6] =	sst s10  }
0x35: {  	s10 =	sld [smem:$0x3FB5];
	_ =	sdelay $0x3  }
0x36: {  	p1 =	seq.s32 s10, $0x1;
	s10 =	sld [smem:$0x3FB6];
	_ =	sdelay $0x3  }
0x37: {  	[smem:$0x3FB6] =	sst s10  }
0x38: {  	s10 =	sld [smem:$0x3FB7]  }
0x39: {  	_ = 	snop;
	(pc) =	sbr.ind lr, $3  }
0x3a: {  	_ = 	snop  }
0x3b: {  	_ = 	snop  }
0x3c: {  	p2 =	seq.s32 s10, $0x1;
	s10 =	sld [smem:$0x3FB6]  }
0x3d: {  	_ =	shalt  }
0x3e: {  	_ =	shalt  }
0x3f: {  	_ =	shalt  }
0x40: {  	_ =	shalt  }
0x41: {  	_ =	shalt  }
0x42: {  	_ =	shalt  }
0x43: {  	_ =	shalt  }
0x44: {  	_ =	shalt  }
0x45: {  	_ =	shalt  }
0x46: {  	_ =	shalt  }
0x47: {  	_ =	shalt  }
0x48: {  	_ =	shalt  }
0x49: {  	_ =	shalt  }
0x4a: {  	_ =	shalt  }
0x4b: {  	_ =	shalt  }
0x4c: {  	_ =	shalt  }
0x4d: {  	_ =	shalt  }
0x4e: {  	_ =	shalt  }
0x4f: {  	_ =	shalt  }
0x50: {  	_ =	shalt  }
0x51: {  	_ =	shalt  }
0x52: {  	_ =	shalt  }
0x53: {  	_ =	shalt  }
0x54: {  	_ =	shalt  }
0x55: {  	_ =	shalt  }
0x56: {  	_ =	shalt  }
0x57: {  	_ =	shalt  }
0x58: {  	_ =	shalt  }
0x59: {  	_ =	shalt  }
0x5a: {  	_ =	shalt  }
0x5b: {  	_ =	shalt  }
0x5c: {  	_ =	shalt  }
0x5d: {  	_ =	shalt  }
0x5e: {  	_ =	shalt  }
0x5f: {  	_ =	shalt  }
0x60: {  	_ =	shalt  }
0x61: {  	_ =	shalt  }
0x62: {  	_ =	shalt  }
0x63: {  	_ =	shalt  }
0x64: {  	_ =	shalt  }
0x65: {  	_ =	shalt  }
0x66: {  	_ =	shalt  }
0x67: {  	_ =	shalt  }
0x68: {  	_ =	shalt  }
0x69: {  	_ =	shalt  }
0x6a: {  	_ =	shalt  }
0x6b: {  	_ =	shalt  }
0x6c: {  	_ =	shalt  }
0x6d: {  	_ =	shalt  }
0x6e: {  	_ =	shalt  }
0x6f: {  	_ =	shalt  }
0x70: {  	_ =	shalt  }
0x71: {  	_ =	shalt  }
0x72: {  	_ =	shalt  }
0x73: {  	_ =	shalt  }
0x74: {  	_ =	shalt  }
0x75: {  	_ =	shalt  }
0x76: {  	_ =	shalt  }
0x77: {  	_ =	shalt  }
0x78: {  	_ =	shalt  }
0x79: {  	_ =	shalt  }
0x7a: {  	_ =	shalt  }
0x7b: {  	_ =	shalt  }
0x7c: {  	_ =	shalt  }
0x7d: {  	_ =	shalt  }
0x7e: {  	_ =	shalt  }
0x7f: {  	_ =	shalt  }
0x80: {  	_ =	shalt  }
0x81: {  	_ =	shalt  }
0x82: {  	_ =	shalt  }
0x83: {  	_ =	shalt  }
0x84: {  	_ =	shalt  }
0x85: {  	_ =	shalt  }
0x86: {  	_ =	shalt  }
0x87: {  	_ =	shalt  }
.Lfunc_end0:
.L_simem_size_0:
called_computation_lowered:
.L_overlay_start_0:
0x88: {  	s2 =	sld [smem:$0x3FD9]  }
0x89: {  	s3 =	sld [smem:$0x3FFE];
	_ =	sdelay $0x1  }
0x8a: {  	s1 =	srdreg.scid  }
0x8b: {  	s0 =	sand.u32 $0x1, s1  }
0x8c: {  	s16 =	sshll.u32 s0, $0xA;
	s2 =	sadd.s32 s3, s2  }
0x8d: {  	s2 =	sadd.s32 s2, s16  }
0x8e: {  	[smem:$0x3FC2] =	sst s2  }
0x8f: {  	_ = 	snop  }
0x90: {  	(tm) =	ssettm $0x1  }
0x91: {  	s17 =	sld [smem:$0x3FFB];
	_ =	sdelay $0x3  }
0x92: {  	_ =	strace s17  }
0x93: {  	s2 =	sld [smem:$0x3FFC];
	_ =	sdelay $0x3  }
0x94: {  	_ =	strace s2  }
0x95: {  	s2 =	sld [smem:$0x3FFD];
	_ =	sdelay $0x3  }
0x96: {  	_ =	strace s2  }
0x97: {  	_ =	strace $0x8FFFFFFF  }
0x98: {  	s18 =	sld [smem:$0x3FDB];
	_ =	sdelay $0x1  }
0x99: {  	s19 =	simm.s32 $_scs_section_size  }
0x9a: {  	s4 =	simm.s32 $_size__tile_overlayer_lowered;
	s5 =	simm.s32 $_tile_overlayer_lowered  }
0x9b: {  	s22 =	simm.s32 $0x1BFF;
	s21 =	sshll.u32 s5, $0x1;
	s2 =	sadd.s32 s19, s18  }
0x9c: {  	s6 =	simm.s32 $0x0;
	s20 =	sshll.u32 s4, $0x1;
	s4 =	sadd.s32 s21, s2  }
0x9d: {  	[timem:s6], [sflag:s22] =	dma.local [hbm:s4], s20  }
0x9e: {  	_ =	swait.ge [sflag:s22], s20  }
0x9f: {  	s3 =	ssub.s32 $0x0, s20;
	[sflag:s22] =	ssyncset.done $0x0  }
0xa0: {  	[sflag:s22] =	ssyncadd.s32 s3;
	_ =	sdelay $0x1  }
0xa1: {  	s23 =	simm.s32 $0x1B8B  }
0xa2: {  	_ =	swait.ge [sflag:s23], $0x1  }
0xa3: {  	[sflag:s23] =	ssyncset.done $0x0  }
0xa4: {  	s25 =	simm.s32 $0x1B8E;
	s24 =	sld [smem:$0x3FFE];
	[sflag:s23] =	ssyncadd.s32 $0xFFFFFFFF  }
0xa5: {  	s26 =	simm.s32 $execute0_lowered;
	[smem:$0x3FD2] =	sst s25  }
0xa6: {  	s4 =	sshll.u32 s26, $0x1;
	_ =	strace $0x80000046;
	[dreg:$0x1] =	wrdreg $0xFFFFFFFF  }
0xa7: {  	s28 =	simm.s32 $_size_execute0_lowered;
	s2 =	sadd.s32 s2, s4;
	[dreg:$0x0] =	wrdreg $0x0  }
0xa8: {  	s4 =	sshll.u32 s28, $0x1;
	[dreg:$0x2] =	wrdreg s2  }
0xa9: {  	[dreg:$0x3] =	wrdreg s4  }
0xaa: {  	[dreg:$0x4] =	wrdreg $0xC0  }
0xab: {  	_ =	task [dreg:s6], $0x5FFFF  }
0xac: {  	[dreg:$0x1] =	wrdreg $0xFFFFFFFF  }
0xad: {  	[dreg:$0x0] =	wrdreg $0x60  }
0xae: {  	[dreg:$0x2] =	wrdreg s24  }
0xaf: {  	[dreg:$0x3] =	wrdreg $0x9  }
0xb0: {  	_ =	task.clear_ibuf [dreg:s6], $0x4FFFF;
	_ =	strace $0x90000046  }
0xb1: {  	s29 =	simm.s32 $0x9;
	_ =	strace $0x80000048  }
0xb2: {  	_ =	swait.ge [sflag:s29], $0x1  }
0xb3: {  	[sflag:s29] =	ssyncadd.s32 $0xFFFFFFFF  }
0xb4: {  	_ =	strace $0x90000048  }
0xb5: {  	_ =	sfence  }
0xb6: {  	s30 =	sld [smem:$0x0];
	_ =	sdelay $0x2  }
0xb7: {  	s31 =	sshll.u32 s1, $0xD;
	s1 =	sshrl.u32 s1, $0x2  }
0xb8: {  	s3 =	sand.u32 $0x4000, s31;
	s1 =	sadd.s32 s1, s30  }
0xb9: {  	s0 =	sor.u32 s3, s0;
	s1 =	sshll.u32 s1, $0x11  }
0xba: {  	s0 =	sor.u32 s1, s0  }
0xbb: {  	s0 =	sadd.s32 $0x8F2B, s0  }
0xbc: {  	[sflag:s0] =	ssyncadd.remote.s32 $0x1  }
0xbd: {  	_ =	sfence.sel $0xFFFF  }
0xbe: {  	[dreg:$0x0] =	wrdreg $0xFFFFFFFF;
	(pc) =	sbr.abs _section_cstart, $3  }
0xbf: {  	[dreg:$0x1] =	wrdreg $0xFFFFFFFF  }
0xc0: {  	_ =	task.clear_ibuf [dreg:s6], $0x2FFFF;
	_ =	strace $0x9FFFFFFF  }
0xc1: {  	(tm) =	ssettm $0x7FFFFFFF  }
tec
execute0_lowered:
.L_overlay_start_1:
0x0: {  	(tag) =	ssettag $0x1  }
0x1: {  	s1 =	srdreg.scid  }
0x2: {  	s0 =	stileid.u32;
	s4 =	rddreg [dreg:$0x0]  }
0x3: {  	s2 =	simm.s32 $0x0;
	s8 =	simm.s32 $0x80;
	s9 =	simm.s32 $0x6400  }
0x4: {  	s10 =	simm.s32 $0x48;
	s11 =	simm.s32 $0x8400;
	s12 =	simm.s32 $0x9600  }
0x5: {  	s13 =	simm.s32 $0xB600;
	s14 =	simm.s32 $0x1;
	s15 =	simm.s32 $0x2  }
0x6: {  	s16 =	simm.s32 $0xC800;
	s17 =	simm.s32 $0x0;
	s3 =	sand.u32 $0x1, s1  }
0x7: {  	s5 =	sshll.u32 s0, $0x8;
	[smem:$0x7FF] =	sst s2;
	s6 =	sshll.u32 s3, $0x7  }
0x8: {  	s1 =	rddreg [dreg:$0x1];
	_ =	strace $0x80000047;
	s5 =	sor.u32 s6, s5  }
0x9: {  	s7 =	ssub.s32 $0x2, s3;
	s6 =	smul.u32 $0x19, s5;
	s5 =	sshll.u32 s5, $0x3  }
0xa: {  	s3 =	sadd.s32 $0x19C00, s4;
	s31 =	sshrl.u32 s7, $0x1;
	s5 =	sadd.s32 s5, s4  }
0xb: {  	s7 =	ssub.s32 s7, s31;
	s6 =	sadd.s32 s6, s4;
	s5 =	sadd.s32 $0x7BBC00, s5  }
0xc: {  	s4 =	sadd.s32 $0xC00, s6;
	s6 =	smax.u32 s7, $0x1;
	s7 =	simm.s32 $0x3  }
.LBB2_1:
0xd: {  	[tilespmem:s2], [sflag:$0x3] =	stream.linear.gather [hbm4b:s4+s2], $0x6400, $0x38;
	[tilespmem:$0xE800] =	vst v63  }
0xe: {  	_ =	swait.ge [sflag:s7], $0x6400  }
0xf: {  	[sflag:s7] =	ssyncset.done $0x0  }
0x10: {  	[sflag:s7] =	ssyncadd.s32 $0xFFFF9C00  }
0x11: {  	[tilespmem:s9], [sflag:$0x1] =	stream.indirect.gather [hbm4b:s3+s8], $0x40, s2, s8, $0xb8;
	[tilespmem:$0xE800] =	vst v63  }
0x12: {  	s18 =	simm.s32 $0x0  }
0x13: {  	[tilespmem:s11], [sflag:$0x1] =	stream.indirect.gather [hbm4b:s3+s10], $0x40, s8, s10, $0xb8;
	[tilespmem:$0xE800] =	vst v63  }
.LBB2_2:
0x14: {  	s19 =	sshllo.u32 s18, $0x1  }
0x15: {  	s20 =	smul.u32 $0x320, s19;
	_ =	sdelay $0x1  }
0x16: {  	s20 =	sshra.s32 s20, $0x2  }
0x17: {  	[tilespmem:s12], [sflag:$0x2] =	stream.indirect.gather [hbm4b:s3+s8], $0x40, s20, s8, $0xb8;
	[tilespmem:$0xE800] =	vst v63  }
0x18: {  	s20 =	sadd.s32 $0x80, s20  }
0x19: {  	[tilespmem:s13], [sflag:$0x2] =	stream.indirect.gather [hbm4b:s3+s10], $0x40, s20, s10, $0xb8;
	[tilespmem:$0xE800] =	vst v63  }
0x1a: {  	_ =	swait.ge [sflag:s14], $0x2000  }
0x1b: {  	[sflag:s14] =	ssyncset.done $0x0  }
0x1c: {  	[sflag:s14] =	ssyncadd.s32 $0xFFFFE000  }
0x1d: {  	_ =	swait.ge [sflag:s14], $0x1200  }
0x1e: {  	[sflag:s14] =	ssyncset.done $0x0  }
0x1f: {  	s21 =	simm.s32 $0x0;
	[sflag:s14] =	ssyncadd.s32 $0xFFFFEE00  }
0x20: {  	v1 =	vld [tilespmem:s21+$0x6430]  }
0x21: {  	v2 =	vld [tilespmem:s21+$0x6400]  }
0x22: {  	v0 =	vimm.f32 $0.0e+00;
	v3 =	vld [tilespmem:s21+$0x6410]  }
0x23: {  	v5 =	vimm.f32 $0.0e+00;
	v6 =	vimm.f32 $0.0e+00;
	v7 =	vimm.f32 $0.0e+00;
	s20 =	simm.s32 $0x100;
	v4 =	vld [tilespmem:s21+$0x6420]  }
.LBB2_3:
0x24: {  	p0 =	sne.s32 s20, $0xC700  }
.Ltmp0:
0x25: {  	s21 =	sshra.s32 s20, $0x2;
	s20 =	sadd.s32 $0x100, s20;
	v0 =	vadd.f32 v1, v0;
	(pc) =	sbr.rel @p0 .LBB2_3-.Ltmp0, $4  }
0x26: {  	v1 =	vld [tilespmem:s21+$0x6430];
	v5 =	vadd.f32 v2, v5  }
0x27: {  	v2 =	vld [tilespmem:s21+$0x6400];
	v6 =	vadd.f32 v3, v6  }
0x28: {  	v3 =	vld [tilespmem:s21+$0x6410];
	v7 =	vadd.f32 v4, v7  }
0x29: {  	v4 =	vld [tilespmem:s21+$0x6420]  }
0x2a: {  	_ = 	snop  }
0x2b: {  	v0 =	vadd.f32 v1, v0  }
0x2c: {  	v2 =	vadd.f32 v2, v5  }
0x2d: {  	s20 =	sshll.u32 s18, $0x7;
	v3 =	vadd.f32 v3, v6;
	v0 =	vmul.f32 $4.999999890e-03, v0  }
0x2e: {  	p0 =	seq.s32 s18, $0x3F;
	s20 =	sand.u32 $0x3FFFFF80, s20;
	v4 =	vadd.f32 v4, v7;
	v2 =	vmul.f32 $4.999999890e-03, v2  }
0x2f: {  	s21 =	smul.u32 @!p0 $0x640, s18;
	v1 =	vmul.f32 $4.999999890e-03, v3;
	[tilespmem:s20+$0xC830] =	vst v0  }
0x30: {  	[tilespmem:s20+$0xC800] =	vst v2;
	v2 =	vmul.f32 $4.999999890e-03, v4  }
0x31: {  	s21 =	sshra.s32 @!p0 s21, $0x2;
	[tilespmem:s20+$0xC810] =	vst v1  }
0x32: {  	s22 =	simm.s32 @!p0 $0x80;
	s23 =	simm.s32 @!p0 $0x6400;
	[tilespmem:s20+$0xC820] =	vst v2;
	s20 =	sadd.s32 @!p0 $0x190, s21  }
0x33: {  	[tilespmem:s23], [sflag:$0x1] =	stream.indirect.gather @!p0 [hbm4b:s3+s22], $0x40, s20, s22, $0xb8;
	[tilespmem:$0xE800] =	vst v63  }
0x34: {  	s20 =	sadd.s32 @!p0 $0x210, s21;
	s21 =	simm.s32 @!p0 $0x48;
	s22 =	simm.s32 @!p0 $0x8400  }
0x35: {  	[tilespmem:s22], [sflag:$0x1] =	stream.indirect.gather @!p0 [hbm4b:s3+s21], $0x40, s20, s21, $0xb8;
	[tilespmem:$0xE800] =	vst v63  }
0x36: {  	_ =	swait.ge [sflag:s15], $0x2000  }
0x37: {  	[sflag:s15] =	ssyncset.done $0x0  }
0x38: {  	[sflag:s15] =	ssyncadd.s32 $0xFFFFE000  }
0x39: {  	_ =	swait.ge [sflag:s15], $0x1200  }
0x3a: {  	[sflag:s15] =	ssyncset.done $0x0  }
0x3b: {  	s31 =	simm.s32 $0x0;
	[sflag:s15] =	ssyncadd.s32 $0xFFFFEE00  }
0x3c: {  	v1 =	vld [tilespmem:s31+$0x9630]  }
0x3d: {  	v2 =	vld [tilespmem:s31+$0x9600]  }
0x3e: {  	v5 =	vimm.f32 $0.0e+00;
	v3 =	vld [tilespmem:s31+$0x9610]  }
0x3f: {  	v6 =	vimm.f32 $0.0e+00;
	v7 =	vimm.f32 $0.0e+00;
	v0 =	vimm.f32 $0.0e+00;
	s20 =	simm.s32 $0x100;
	v4 =	vld [tilespmem:s31+$0x9620]  }
.LBB2_5:
0x40: {  	p0 =	sne.s32 s20, $0xC700  }
.Ltmp1:
0x41: {  	s21 =	sshra.s32 s20, $0x2;
	s20 =	sadd.s32 $0x100, s20;
	v0 =	vadd.f32 v1, v0;
	(pc) =	sbr.rel @p0 .LBB2_5-.Ltmp1, $4  }
0x42: {  	v1 =	vld [tilespmem:s21+$0x9630];
	v5 =	vadd.f32 v2, v5  }
0x43: {  	v2 =	vld [tilespmem:s21+$0x9600];
	v6 =	vadd.f32 v3, v6  }
0x44: {  	v3 =	vld [tilespmem:s21+$0x9610];
	v7 =	vadd.f32 v4, v7  }
0x45: {  	v4 =	vld [tilespmem:s21+$0x9620]  }
0x46: {  	_ = 	snop  }
0x47: {  	v0 =	vadd.f32 v1, v0  }
0x48: {  	s18 =	sadd.s32 $0x1, s18;
	v2 =	vadd.f32 v2, v5  }
0x49: {  	s19 =	sshll.u32 s19, $0x6;
	p0 =	sne.s32 s18, $0x40;
	v3 =	vadd.f32 v3, v6;
	v0 =	vmul.f32 $4.999999890e-03, v0  }
.Ltmp2:
0x4a: {  	s19 =	sand.u32 $0x3FFFFFC0, s19;
	v4 =	vadd.f32 v4, v7;
	v2 =	vmul.f32 $4.999999890e-03, v2;
	(pc) =	sbr.rel @p0 .LBB2_2-.Ltmp2, $4  }
0x4b: {  	v62 =	vmul.f32 $4.999999890e-03, v3;
	[tilespmem:s19+$0xC830] =	vst v0  }
0x4c: {  	[tilespmem:s19+$0xC800] =	vst v2;
	v63 =	vmul.f32 $4.999999890e-03, v4  }
0x4d: {  	[tilespmem:s19+$0xC810] =	vst v62  }
0x4e: {  	[tilespmem:s19+$0xC820] =	vst v63  }
0x4f: {  	s17 =	sadd.s32 $0x1, s17  }
0x50: {  	p0 =	sne.s32 s17, s6  }
.Ltmp3:
0x51: {  	_ = 	snop;
	(pc) =	sbr.rel @p0 .LBB2_1-.Ltmp3, $4  }
0x52: {  	[hbm4b:s5+s2] =	stream.linear.scatter [tilespmem:s16], [sflag:$0x3], $0x2000, $0x38;
	[tilespmem:$0xE800] =	vst v63  }
0x53: {  	_ =	swait.ge [sflag:s7], $0x2000  }
0x54: {  	[sflag:s7] =	ssyncset.done $0x0  }
0x55: {  	[sflag:s7] =	ssyncadd.s32 $0xFFFFE000  }
0x56: {  	_ =	sfence.sel $0x180000  }
0x57: {  	[bflag:$0x0] =	sbarrier.arrive $0xFFFF  }
0x58: {  	p0 =	sne.s32 s0, $0x0;
	_ =	strace $0x90000047  }
0x59: {  	s0 =	sadd.s32 @!p0 $0x100000, s1;
	[bflag:$0x2] =	sbarrier.arrive $0xFFFF  }
0x5a: {  	[sflag:s0] =	ssyncadd.tile.s32 @!p0 $0x1;
	_ =	shalt  }
.Lfunc_end2:
_tile_overlayer_lowered:
.L_overlay_start_2:
0x5b: {  	(tag) =	ssettag $0x2  }
0x5c: {  	s0 =	rddreg [dreg:$0x0];
	s2 =	stileid.u32  }
0x5d: {  	s1 =	rddreg [dreg:$0x1];
	p0 =	sne.s32 s2, $0x0  }
0x5e: {  	s3 =	rddreg [dreg:$0x2];
	[bflag:$0x3] =	sbarrier.arrive $0xFFFF;
	s2 =	simm.s32 @!p0 $0x1C03  }
0x5f: {  	[timem:s3], [sflag:s2] =	dma.local @!p0 [hbm:s0], s1  }
0x60: {  	s0 =	simm.s32 @!p0 $0x3  }
0x61: {  	_ =	swait.ge @!p0 [sflag:s0], s1  }
0x62: {  	s1 =	ssub.s32 @!p0 $0x0, s1;
	[sflag:s0] =	ssyncset.done @!p0 $0x0  }
0x63: {  	[sflag:s0] =	ssyncadd.s32 @!p0 s1  }
0x64: {  	[bflag:$0x3] =	sbarrier.arrive $0xFFFF  }
0x65: {  	_ =	shalt  }

</sc_bundles>
